<compile_context>
chip_gen: v7x
topology: tpu7x:2x2x1
jax: 0.10.2.dev20260603
libtpu: 0.0.44.dev20260713+nightly
codegen_flags: <defaults>
</compile_context>

<pallas_src>
import functools

import jax
import jax.numpy as jnp
from jax import lax
from jax.experimental import pallas as pl
from jax.experimental.pallas import tpu as pltpu
from jax.experimental.pallas import tpu_sc as plsc

N_ENTITY = 1000000
N_RELATION = 1000
EMBED = 64
BATCH = 16384

_L = 16
_CHUNKS = EMBED // _L


_GATHER_DNUMS = lax.GatherDimensionNumbers(
    offset_dims=(), collapsed_slice_dims=(0,), start_index_map=(0,))


def _permute16(v, idx):
    return lax.gather(v, idx[:, None], _GATHER_DNUMS, slice_sizes=(1,),
                      mode=lax.GatherScatterMode.PROMISE_IN_BOUNDS)


def _hsum16(v):
    iota = lax.iota(jnp.int32, _L)
    for sh in (8, 4, 2, 1):
        v = v + _permute16(v, iota ^ sh)
    return v


def _rsqrt16(s):
    s = jnp.maximum(s, 1e-12)
    i = plsc.bitcast(s, jnp.int32)
    i = jnp.int32(0x5F3759DF) - lax.shift_right_logical(i, 1)
    y = plsc.bitcast(i, jnp.float32)
    for _ in range(3):
        y = y * (1.5 - 0.5 * s * y * y)
    return y


def _make_sc_kernel(n_batch, n_workers):
    b_per_w = n_batch // n_workers
    mesh = plsc.VectorSubcoreMesh(core_axis_name="c", subcore_axis_name="s")
    info = plsc.get_sparse_core_info()
    nc = info.num_cores

    @functools.partial(
        pl.kernel,
        mesh=mesh,
        compiler_params=pltpu.CompilerParams(
            needs_layout_passes=False, use_tc_tiling_on_sc=False),
        out_type=jax.ShapeDtypeStruct((n_batch, EMBED), jnp.float32),
        scratch_types=[
            pltpu.VMEM((b_per_w,), jnp.int32),
            pltpu.VMEM((b_per_w,), jnp.int32),
            pltpu.VMEM((b_per_w, EMBED), jnp.float32),
            pltpu.VMEM((b_per_w, EMBED), jnp.float32),
            pltpu.SemaphoreType.DMA,
            pltpu.SemaphoreType.DMA,
        ],
    )
    def translate(src_hbm, rel_idx_hbm, ent_hbm, rel_hbm, out_hbm,
                  idx_s_v, idx_r_v, ent_v, rel_v, sem_e, sem_r):
        wid = lax.axis_index("s") * nc + lax.axis_index("c")
        base = wid * b_per_w
        pltpu.sync_copy(src_hbm.at[pl.ds(base, b_per_w)], idx_s_v)
        pltpu.sync_copy(rel_idx_hbm.at[pl.ds(base, b_per_w)], idx_r_v)
        cp_e = pltpu.async_copy(ent_hbm.at[idx_s_v], ent_v, sem_e)
        cp_r = pltpu.async_copy(rel_hbm.at[idx_r_v], rel_v, sem_r)
        cp_e.wait()
        cp_r.wait()

        def row_body(i, carry):
            e = [ent_v[i, pl.ds(j * _L, _L)] for j in range(_CHUNKS)]
            rl = [rel_v[i, pl.ds(j * _L, _L)] for j in range(_CHUNKS)]
            sq_e = e[0] * e[0]
            sq_r = rl[0] * rl[0]
            for j in range(1, _CHUNKS):
                sq_e = sq_e + e[j] * e[j]
                sq_r = sq_r + rl[j] * rl[j]
            inv_e = _rsqrt16(_hsum16(sq_e))
            inv_r = _rsqrt16(_hsum16(sq_r))
            for j in range(_CHUNKS):
                ent_v[i, pl.ds(j * _L, _L)] = e[j] * inv_e + rl[j] * inv_r
            return carry

        lax.fori_loop(0, b_per_w, row_body, 0)
        pltpu.sync_copy(ent_v, out_hbm.at[pl.ds(base, b_per_w)])

    return translate


def kernel(source, r, entity_embeddings, relation_embeddings):
    info = plsc.get_sparse_core_info()
    n_workers = info.num_cores * info.num_subcores
    fn = _make_sc_kernel(BATCH, n_workers)
    return fn(source.astype(jnp.int32), r.astype(jnp.int32),
              entity_embeddings, relation_embeddings)

# --- scband reference (transcript-rebuilt; emitter-appended) ---
"""Pipeline reference for scband-trans-e-17935783428656 (READ-ONLY COPY).

The authoritative reference and input builder live on the scoring server;
editing this copy changes nothing except your own understanding.
"""

import jax, jax.numpy as jnp
import numpy as np

N_ENTITY = 1000000
N_RELATION = 1000
EMBED = 64
BATCH = 16384


def _l2_normalize(x, axis=-1, eps=1e-12):
    sq = jnp.sum(x * x, axis=axis, keepdims=True)
    return x * jax.lax.rsqrt(jnp.maximum(sq, eps))


def setup_inputs(seed: int = 0) -> dict:
    key = jax.random.key(seed)
    k1, k2, k3, k4 = jax.random.split(key, 4)
    bound = 6.0 / np.sqrt(EMBED)
    entity_embeddings = jax.random.uniform(k1, (N_ENTITY, EMBED), minval=-bound, maxval=bound, dtype=jnp.float32)
    relation_embeddings = jax.random.uniform(k2, (N_RELATION, EMBED), minval=-bound, maxval=bound, dtype=jnp.float32)
    source = jax.random.randint(k3, (BATCH,), 0, N_ENTITY, dtype=jnp.int64 if jax.config.jax_enable_x64 else jnp.int32)
    r = jax.random.randint(k4, (BATCH,), 0, N_RELATION, dtype=jnp.int64 if jax.config.jax_enable_x64 else jnp.int32)
    return {"source": source, "r": r, "entity_embeddings": entity_embeddings, "relation_embeddings": relation_embeddings}


def reference(source, r, entity_embeddings, relation_embeddings):
    # embed_norm for entities: table rows (1e6) >= batch (16384) -> lookup then normalize
    embedded_s = _l2_normalize(jnp.take(entity_embeddings, source, axis=0), axis=-1)
    # embed_norm for relations: table rows (1000) < batch (16384) -> normalize full table then lookup
    embedded_r = jnp.take(_l2_normalize(relation_embeddings, axis=-1), r, axis=0)
    # target_entity_type == 'tail'
    translated = embedded_s + embedded_r
    return translated

if __name__ == "__main__":
    import jax
    _d = setup_inputs()
    print(jax.jit(kernel)(*tuple(_d.values())))

</pallas_src>

<mosaic_0001>
#map = affine_map<(d0, d1) -> (0)>
#map1 = affine_map<(d0, d1) -> (0, 0)>
module attributes {stable_mosaic.version = 14 : i64} {
  func.func @translate(%arg0: i32, %arg1: i32, %arg2: memref<16384xi32, #tpu.memory_space<hbm>>, %arg3: memref<16384xi32, #tpu.memory_space<hbm>>, %arg4: memref<1000000x64xf32, #tpu.memory_space<hbm>>, %arg5: memref<1000x64xf32, #tpu.memory_space<hbm>>, %arg6: memref<16384x64xf32, #tpu.memory_space<hbm>>, %arg7: memref<512xi32, #tpu.memory_space<vmem>>, %arg8: memref<512xi32, #tpu.memory_space<vmem>>, %arg9: memref<512x64xf32, #tpu.memory_space<vmem>>, %arg10: memref<512x64xf32, #tpu.memory_space<vmem>>, %arg11: memref<!tpu.dma_semaphore, #tpu.memory_space<semaphore_mem>>, %arg12: memref<!tpu.dma_semaphore, #tpu.memory_space<semaphore_mem>>) attributes {dimension_semantics = [#tpu.dimension_semantics<core_parallel>, #tpu.dimension_semantics<subcore_parallel>], iteration_bounds = array<i64: 2, 16>, scalar_prefetch = 0 : i64, scratch_operands = 6 : i64, tpu.core_type = #tpu.core_type<sc_vector_subcore>, window_params = [{transform_indices = #map}, {transform_indices = #map}, {transform_indices = #map1}, {transform_indices = #map1}, {transform_indices = #map1}]} {
    %mul3A = arith.constant 2 : i32
    %mul3A_0 = arith.muli %arg1, %mul3A : i32
    %add3A = arith.addi %mul3A_0, %arg0 : i32
    %mul3A_1 = arith.constant 512 : i32
    %mul3A_2 = arith.muli %add3A, %mul3A_1 : i32
    "tpu.region"() ({
      %run_scoped3A = tpu.sem_alloc : memref<!tpu.dma_semaphore, #tpu.memory_space<semaphore_mem>>
      %dma_start3A_18 = tpu.memref_slice %arg2[%mul3A_2] : memref<16384xi32, #tpu.memory_space<hbm>> -> memref<512xi32, #tpu.memory_space<hbm>>
      %dma_start3A_19 = tpu.memref_slice %arg2[%mul3A_2] : memref<16384xi32, #tpu.memory_space<hbm>> -> memref<512xi32, #tpu.memory_space<hbm>>
      tpu.enqueue_dma source(%dma_start3A_19 : memref<512xi32, #tpu.memory_space<hbm>>) target(%arg7 : memref<512xi32, #tpu.memory_space<vmem>>) target_semaphore(%run_scoped3A : memref<!tpu.dma_semaphore, #tpu.memory_space<semaphore_mem>>)
      %dma_wait3A_20 = tpu.memref_slice %arg2[%mul3A_2] : memref<16384xi32, #tpu.memory_space<hbm>> -> memref<512xi32, #tpu.memory_space<hbm>>
      %dma_wait3A_21 = tpu.memref_slice %arg2[%mul3A_2] : memref<16384xi32, #tpu.memory_space<hbm>> -> memref<512xi32, #tpu.memory_space<hbm>>
      tpu.wait_dma2 semaphore(%run_scoped3A : memref<!tpu.dma_semaphore, #tpu.memory_space<semaphore_mem>>) src(%dma_wait3A_21 : memref<512xi32, #tpu.memory_space<hbm>>) dst(%arg7 : memref<512xi32, #tpu.memory_space<vmem>>)
      tpu.yield
    }) : () -> ()
    "tpu.region"() ({
      %run_scoped3A = tpu.sem_alloc : memref<!tpu.dma_semaphore, #tpu.memory_space<semaphore_mem>>
      %dma_start3A_18 = tpu.memref_slice %arg3[%mul3A_2] : memref<16384xi32, #tpu.memory_space<hbm>> -> memref<512xi32, #tpu.memory_space<hbm>>
      %dma_start3A_19 = tpu.memref_slice %arg3[%mul3A_2] : memref<16384xi32, #tpu.memory_space<hbm>> -> memref<512xi32, #tpu.memory_space<hbm>>
      tpu.enqueue_dma source(%dma_start3A_19 : memref<512xi32, #tpu.memory_space<hbm>>) target(%arg8 : memref<512xi32, #tpu.memory_space<vmem>>) target_semaphore(%run_scoped3A : memref<!tpu.dma_semaphore, #tpu.memory_space<semaphore_mem>>)
      %dma_wait3A_20 = tpu.memref_slice %arg3[%mul3A_2] : memref<16384xi32, #tpu.memory_space<hbm>> -> memref<512xi32, #tpu.memory_space<hbm>>
      %dma_wait3A_21 = tpu.memref_slice %arg3[%mul3A_2] : memref<16384xi32, #tpu.memory_space<hbm>> -> memref<512xi32, #tpu.memory_space<hbm>>
      tpu.wait_dma2 semaphore(%run_scoped3A : memref<!tpu.dma_semaphore, #tpu.memory_space<semaphore_mem>>) src(%dma_wait3A_21 : memref<512xi32, #tpu.memory_space<hbm>>) dst(%arg8 : memref<512xi32, #tpu.memory_space<vmem>>)
      tpu.yield
    }) : () -> ()
    %dma_start3A = arith.constant 0 : i32
    %dma_start3A_3 = arith.constant 0 : i32
    %dma_start3A_4 = tpu.memref_slice %arg4[%dma_start3A, %dma_start3A_3] : memref<1000000x64xf32, #tpu.memory_space<hbm>> -> memref<1000000x64xf32, #tpu.memory_space<hbm>>
    tpu.enqueue_indirect_dma source(%dma_start3A_4 : memref<1000000x64xf32, #tpu.memory_space<hbm>>) target(%arg9 : memref<512x64xf32, #tpu.memory_space<vmem>>) offsets(%arg7 : memref<512xi32, #tpu.memory_space<vmem>>) semaphore(%arg11 : memref<!tpu.dma_semaphore, #tpu.memory_space<semaphore_mem>>)
    %dma_start3A_5 = arith.constant 0 : i32
    %dma_start3A_6 = arith.constant 0 : i32
    %dma_start3A_7 = tpu.memref_slice %arg5[%dma_start3A_5, %dma_start3A_6] : memref<1000x64xf32, #tpu.memory_space<hbm>> -> memref<1000x64xf32, #tpu.memory_space<hbm>>
    tpu.enqueue_indirect_dma source(%dma_start3A_7 : memref<1000x64xf32, #tpu.memory_space<hbm>>) target(%arg10 : memref<512x64xf32, #tpu.memory_space<vmem>>) offsets(%arg8 : memref<512xi32, #tpu.memory_space<vmem>>) semaphore(%arg12 : memref<!tpu.dma_semaphore, #tpu.memory_space<semaphore_mem>>)
    %dma_wait3A = arith.constant 0 : i32
    %dma_wait3A_8 = arith.constant 0 : i32
    %dma_wait3A_9 = tpu.memref_slice %arg4[%dma_wait3A, %dma_wait3A_8] : memref<1000000x64xf32, #tpu.memory_space<hbm>> -> memref<1000000x64xf32, #tpu.memory_space<hbm>>
    tpu.wait_indirect_dma semaphore(%arg11 : memref<!tpu.dma_semaphore, #tpu.memory_space<semaphore_mem>>) src(%dma_wait3A_9 : memref<1000000x64xf32, #tpu.memory_space<hbm>>) dst(%arg9 : memref<512x64xf32, #tpu.memory_space<vmem>>)
    %dma_wait3A_10 = arith.constant 0 : i32
    %dma_wait3A_11 = arith.constant 0 : i32
    %dma_wait3A_12 = tpu.memref_slice %arg5[%dma_wait3A_10, %dma_wait3A_11] : memref<1000x64xf32, #tpu.memory_space<hbm>> -> memref<1000x64xf32, #tpu.memory_space<hbm>>
    tpu.wait_indirect_dma semaphore(%arg12 : memref<!tpu.dma_semaphore, #tpu.memory_space<semaphore_mem>>) src(%dma_wait3A_12 : memref<1000x64xf32, #tpu.memory_space<hbm>>) dst(%arg10 : memref<512x64xf32, #tpu.memory_space<vmem>>)
    %scan3A = arith.constant 0 : i32
    %scan3A_13 = arith.constant 0 : i32
    %scan3A_14 = arith.constant 512 : i32
    %scan3A_15 = arith.addi %scan3A_13, %scan3A_14 : i32
    %scan3A_16 = arith.constant 1 : i32
    scf.for %scan3A_18 = %scan3A_13 to %scan3A_15 step %scan3A_16  : i32 {
      %get3A = arith.index_cast %scan3A_18 : i32 to index
      %get3A_19 = arith.constant 0 : index
      %get3A_20 = tpu.vector_load %arg9[%get3A, %get3A_19] {strides = array<i32>} : memref<512x64xf32, #tpu.memory_space<vmem>>, vector<16xf32>,
      %get3A_21 = arith.index_cast %scan3A_18 : i32 to index
      %get3A_22 = arith.constant 16 : index
      %get3A_23 = tpu.vector_load %arg9[%get3A_21, %get3A_22] {strides = array<i32>} : memref<512x64xf32, #tpu.memory_space<vmem>>, vector<16xf32>,
      %get3A_24 = arith.index_cast %scan3A_18 : i32 to index
      %get3A_25 = arith.constant 32 : index
      %get3A_26 = tpu.vector_load %arg9[%get3A_24, %get3A_25] {strides = array<i32>} : memref<512x64xf32, #tpu.memory_space<vmem>>, vector<16xf32>,
      %get3A_27 = arith.index_cast %scan3A_18 : i32 to index
      %get3A_28 = arith.constant 48 : index
      %get3A_29 = tpu.vector_load %arg9[%get3A_27, %get3A_28] {strides = array<i32>} : memref<512x64xf32, #tpu.memory_space<vmem>>, vector<16xf32>,
      %get3A_30 = arith.index_cast %scan3A_18 : i32 to index
      %get3A_31 = arith.constant 0 : index
      %get3A_32 = tpu.vector_load %arg10[%get3A_30, %get3A_31] {strides = array<i32>} : memref<512x64xf32, #tpu.memory_space<vmem>>, vector<16xf32>,
      %get3A_33 = arith.index_cast %scan3A_18 : i32 to index
      %get3A_34 = arith.constant 16 : index
      %get3A_35 = tpu.vector_load %arg10[%get3A_33, %get3A_34] {strides = array<i32>} : memref<512x64xf32, #tpu.memory_space<vmem>>, vector<16xf32>,
      %get3A_36 = arith.index_cast %scan3A_18 : i32 to index
      %get3A_37 = arith.constant 32 : index
      %get3A_38 = tpu.vector_load %arg10[%get3A_36, %get3A_37] {strides = array<i32>} : memref<512x64xf32, #tpu.memory_space<vmem>>, vector<16xf32>,
      %get3A_39 = arith.index_cast %scan3A_18 : i32 to index
      %get3A_40 = arith.constant 48 : index
      %get3A_41 = tpu.vector_load %arg10[%get3A_39, %get3A_40] {strides = array<i32>} : memref<512x64xf32, #tpu.memory_space<vmem>>, vector<16xf32>,
      %mul3A_42 = arith.mulf %get3A_20, %get3A_20 : vector<16xf32>
      %mul3A_43 = arith.mulf %get3A_32, %get3A_32 : vector<16xf32>
      %mul3A_44 = arith.mulf %get3A_23, %get3A_23 : vector<16xf32>
      %add3A_45 = arith.addf %mul3A_42, %mul3A_44 : vector<16xf32>
      %mul3A_46 = arith.mulf %get3A_35, %get3A_35 : vector<16xf32>
      %add3A_47 = arith.addf %mul3A_43, %mul3A_46 : vector<16xf32>
      %mul3A_48 = arith.mulf %get3A_26, %get3A_26 : vector<16xf32>
      %add3A_49 = arith.addf %add3A_45, %mul3A_48 : vector<16xf32>
      %mul3A_50 = arith.mulf %get3A_38, %get3A_38 : vector<16xf32>
      %add3A_51 = arith.addf %add3A_47, %mul3A_50 : vector<16xf32>
      %mul3A_52 = arith.mulf %get3A_29, %get3A_29 : vector<16xf32>
      %add3A_53 = arith.addf %add3A_49, %mul3A_52 : vector<16xf32>
      %mul3A_54 = arith.mulf %get3A_41, %get3A_41 : vector<16xf32>
      %add3A_55 = arith.addf %add3A_51, %mul3A_54 : vector<16xf32>
      %iota3A = tpu.iota {dimensions = array<i32: 0>} : vector<16xi32>
      %xor3A = arith.constant 8 : i32
      %xor3A_56 = vector.broadcast %xor3A : i32 to vector<16xi32>
      %xor3A_57 = arith.xori %iota3A, %xor3A_56 : vector<16xi32>
      %broadcast_in_dim3A = vector.shape_cast %xor3A_57 : vector<16xi32> to vector<16x1xi32>
      %gather3A = vector.shape_cast %broadcast_in_dim3A : vector<16x1xi32> to vector<16xi32>
      %gather3A_58 = tpu.dynamic_gather %add3A_53[%gather3A] in [0] : vector<16xf32>, vector<16xi32> -> vector<16xf32>
      %add3A_59 = arith.addf %add3A_53, %gather3A_58 : vector<16xf32>
      %xor3A_60 = arith.constant 4 : i32
      %xor3A_61 = vector.broadcast %xor3A_60 : i32 to vector<16xi32>
      %xor3A_62 = arith.xori %iota3A, %xor3A_61 : vector<16xi32>
      %broadcast_in_dim3A_63 = vector.shape_cast %xor3A_62 : vector<16xi32> to vector<16x1xi32>
      %gather3A_64 = vector.shape_cast %broadcast_in_dim3A_63 : vector<16x1xi32> to vector<16xi32>
      %gather3A_65 = tpu.dynamic_gather %add3A_59[%gather3A_64] in [0] : vector<16xf32>, vector<16xi32> -> vector<16xf32>
      %add3A_66 = arith.addf %add3A_59, %gather3A_65 : vector<16xf32>
      %xor3A_67 = arith.constant 2 : i32
      %xor3A_68 = vector.broadcast %xor3A_67 : i32 to vector<16xi32>
      %xor3A_69 = arith.xori %iota3A, %xor3A_68 : vector<16xi32>
      %broadcast_in_dim3A_70 = vector.shape_cast %xor3A_69 : vector<16xi32> to vector<16x1xi32>
      %gather3A_71 = vector.shape_cast %broadcast_in_dim3A_70 : vector<16x1xi32> to vector<16xi32>
      %gather3A_72 = tpu.dynamic_gather %add3A_66[%gather3A_71] in [0] : vector<16xf32>, vector<16xi32> -> vector<16xf32>
      %add3A_73 = arith.addf %add3A_66, %gather3A_72 : vector<16xf32>
      %xor3A_74 = arith.constant 1 : i32
      %xor3A_75 = vector.broadcast %xor3A_74 : i32 to vector<16xi32>
      %xor3A_76 = arith.xori %iota3A, %xor3A_75 : vector<16xi32>
      %broadcast_in_dim3A_77 = vector.shape_cast %xor3A_76 : vector<16xi32> to vector<16x1xi32>
      %gather3A_78 = vector.shape_cast %broadcast_in_dim3A_77 : vector<16x1xi32> to vector<16xi32>
      %gather3A_79 = tpu.dynamic_gather %add3A_73[%gather3A_78] in [0] : vector<16xf32>, vector<16xi32> -> vector<16xf32>
      %add3A_80 = arith.addf %add3A_73, %gather3A_79 : vector<16xf32>
      %max3A = arith.constant 9.99999996E-13 : f32
      %max3A_81 = vector.broadcast %max3A : f32 to vector<16xf32>
      %max3A_82 = arith.maximumf %add3A_80, %max3A_81 : vector<16xf32>
      %bitcast3A = vector.bitcast %max3A_82 : vector<16xf32> to vector<16xi32>
      %shift_right_logical3A = arith.constant 1 : i32
      %shift_right_logical3A_83 = vector.broadcast %shift_right_logical3A : i32 to vector<16xi32>
      %shift_right_logical3A_84 = arith.shrui %bitcast3A, %shift_right_logical3A_83 : vector<16xi32>
      %sub3A = arith.constant 1597463007 : i32
      %sub3A_85 = vector.broadcast %sub3A : i32 to vector<16xi32>
      %sub3A_86 = arith.subi %sub3A_85, %shift_right_logical3A_84 : vector<16xi32>
      %bitcast3A_87 = vector.bitcast %sub3A_86 : vector<16xi32> to vector<16xf32>
      %mul3A_88 = arith.constant 5.000000e-01 : f32
      %mul3A_89 = vector.broadcast %mul3A_88 : f32 to vector<16xf32>
      %mul3A_90 = arith.mulf %mul3A_89, %max3A_82 : vector<16xf32>
      %mul3A_91 = arith.mulf %mul3A_90, %bitcast3A_87 : vector<16xf32>
      %mul3A_92 = arith.mulf %mul3A_91, %bitcast3A_87 : vector<16xf32>
      %sub3A_93 = arith.constant 1.500000e+00 : f32
      %sub3A_94 = vector.broadcast %sub3A_93 : f32 to vector<16xf32>
      %sub3A_95 = arith.subf %sub3A_94, %mul3A_92 : vector<16xf32>
      %mul3A_96 = arith.mulf %bitcast3A_87, %sub3A_95 : vector<16xf32>
      %mul3A_97 = arith.constant 5.000000e-01 : f32
      %mul3A_98 = vector.broadcast %mul3A_97 : f32 to vector<16xf32>
      %mul3A_99 = arith.mulf %mul3A_98, %max3A_82 : vector<16xf32>
      %mul3A_100 = arith.mulf %mul3A_99, %mul3A_96 : vector<16xf32>
      %mul3A_101 = arith.mulf %mul3A_100, %mul3A_96 : vector<16xf32>
      %sub3A_102 = arith.constant 1.500000e+00 : f32
      %sub3A_103 = vector.broadcast %sub3A_102 : f32 to vector<16xf32>
      %sub3A_104 = arith.subf %sub3A_103, %mul3A_101 : vector<16xf32>
      %mul3A_105 = arith.mulf %mul3A_96, %sub3A_104 : vector<16xf32>
      %mul3A_106 = arith.constant 5.000000e-01 : f32
      %mul3A_107 = vector.broadcast %mul3A_106 : f32 to vector<16xf32>
      %mul3A_108 = arith.mulf %mul3A_107, %max3A_82 : vector<16xf32>
      %mul3A_109 = arith.mulf %mul3A_108, %mul3A_105 : vector<16xf32>
      %mul3A_110 = arith.mulf %mul3A_109, %mul3A_105 : vector<16xf32>
      %sub3A_111 = arith.constant 1.500000e+00 : f32
      %sub3A_112 = vector.broadcast %sub3A_111 : f32 to vector<16xf32>
      %sub3A_113 = arith.subf %sub3A_112, %mul3A_110 : vector<16xf32>
      %mul3A_114 = arith.mulf %mul3A_105, %sub3A_113 : vector<16xf32>
      %iota3A_115 = tpu.iota {dimensions = array<i32: 0>} : vector<16xi32>
      %xor3A_116 = arith.constant 8 : i32
      %xor3A_117 = vector.broadcast %xor3A_116 : i32 to vector<16xi32>
      %xor3A_118 = arith.xori %iota3A_115, %xor3A_117 : vector<16xi32>
      %broadcast_in_dim3A_119 = vector.shape_cast %xor3A_118 : vector<16xi32> to vector<16x1xi32>
      %gather3A_120 = vector.shape_cast %broadcast_in_dim3A_119 : vector<16x1xi32> to vector<16xi32>
      %gather3A_121 = tpu.dynamic_gather %add3A_55[%gather3A_120] in [0] : vector<16xf32>, vector<16xi32> -> vector<16xf32>
      %add3A_122 = arith.addf %add3A_55, %gather3A_121 : vector<16xf32>
      %xor3A_123 = arith.constant 4 : i32
      %xor3A_124 = vector.broadcast %xor3A_123 : i32 to vector<16xi32>
      %xor3A_125 = arith.xori %iota3A_115, %xor3A_124 : vector<16xi32>
      %broadcast_in_dim3A_126 = vector.shape_cast %xor3A_125 : vector<16xi32> to vector<16x1xi32>
      %gather3A_127 = vector.shape_cast %broadcast_in_dim3A_126 : vector<16x1xi32> to vector<16xi32>
      %gather3A_128 = tpu.dynamic_gather %add3A_122[%gather3A_127] in [0] : vector<16xf32>, vector<16xi32> -> vector<16xf32>
      %add3A_129 = arith.addf %add3A_122, %gather3A_128 : vector<16xf32>
      %xor3A_130 = arith.constant 2 : i32
      %xor3A_131 = vector.broadcast %xor3A_130 : i32 to vector<16xi32>
      %xor3A_132 = arith.xori %iota3A_115, %xor3A_131 : vector<16xi32>
      %broadcast_in_dim3A_133 = vector.shape_cast %xor3A_132 : vector<16xi32> to vector<16x1xi32>
      %gather3A_134 = vector.shape_cast %broadcast_in_dim3A_133 : vector<16x1xi32> to vector<16xi32>
      %gather3A_135 = tpu.dynamic_gather %add3A_129[%gather3A_134] in [0] : vector<16xf32>, vector<16xi32> -> vector<16xf32>
      %add3A_136 = arith.addf %add3A_129, %gather3A_135 : vector<16xf32>
      %xor3A_137 = arith.constant 1 : i32
      %xor3A_138 = vector.broadcast %xor3A_137 : i32 to vector<16xi32>
      %xor3A_139 = arith.xori %iota3A_115, %xor3A_138 : vector<16xi32>
      %broadcast_in_dim3A_140 = vector.shape_cast %xor3A_139 : vector<16xi32> to vector<16x1xi32>
      %gather3A_141 = vector.shape_cast %broadcast_in_dim3A_140 : vector<16x1xi32> to vector<16xi32>
      %gather3A_142 = tpu.dynamic_gather %add3A_136[%gather3A_141] in [0] : vector<16xf32>, vector<16xi32> -> vector<16xf32>
      %add3A_143 = arith.addf %add3A_136, %gather3A_142 : vector<16xf32>
      %max3A_144 = arith.constant 9.99999996E-13 : f32
      %max3A_145 = vector.broadcast %max3A_144 : f32 to vector<16xf32>
      %max3A_146 = arith.maximumf %add3A_143, %max3A_145 : vector<16xf32>
      %bitcast3A_147 = vector.bitcast %max3A_146 : vector<16xf32> to vector<16xi32>
      %shift_right_logical3A_148 = arith.constant 1 : i32
      %shift_right_logical3A_149 = vector.broadcast %shift_right_logical3A_148 : i32 to vector<16xi32>
      %shift_right_logical3A_150 = arith.shrui %bitcast3A_147, %shift_right_logical3A_149 : vector<16xi32>
      %sub3A_151 = arith.constant 1597463007 : i32
      %sub3A_152 = vector.broadcast %sub3A_151 : i32 to vector<16xi32>
      %sub3A_153 = arith.subi %sub3A_152, %shift_right_logical3A_150 : vector<16xi32>
      %bitcast3A_154 = vector.bitcast %sub3A_153 : vector<16xi32> to vector<16xf32>
      %mul3A_155 = arith.constant 5.000000e-01 : f32
      %mul3A_156 = vector.broadcast %mul3A_155 : f32 to vector<16xf32>
      %mul3A_157 = arith.mulf %mul3A_156, %max3A_146 : vector<16xf32>
      %mul3A_158 = arith.mulf %mul3A_157, %bitcast3A_154 : vector<16xf32>
      %mul3A_159 = arith.mulf %mul3A_158, %bitcast3A_154 : vector<16xf32>
      %sub3A_160 = arith.constant 1.500000e+00 : f32
      %sub3A_161 = vector.broadcast %sub3A_160 : f32 to vector<16xf32>
      %sub3A_162 = arith.subf %sub3A_161, %mul3A_159 : vector<16xf32>
      %mul3A_163 = arith.mulf %bitcast3A_154, %sub3A_162 : vector<16xf32>
      %mul3A_164 = arith.constant 5.000000e-01 : f32
      %mul3A_165 = vector.broadcast %mul3A_164 : f32 to vector<16xf32>
      %mul3A_166 = arith.mulf %mul3A_165, %max3A_146 : vector<16xf32>
      %mul3A_167 = arith.mulf %mul3A_166, %mul3A_163 : vector<16xf32>
      %mul3A_168 = arith.mulf %mul3A_167, %mul3A_163 : vector<16xf32>
      %sub3A_169 = arith.constant 1.500000e+00 : f32
      %sub3A_170 = vector.broadcast %sub3A_169 : f32 to vector<16xf32>
      %sub3A_171 = arith.subf %sub3A_170, %mul3A_168 : vector<16xf32>
      %mul3A_172 = arith.mulf %mul3A_163, %sub3A_171 : vector<16xf32>
      %mul3A_173 = arith.constant 5.000000e-01 : f32
      %mul3A_174 = vector.broadcast %mul3A_173 : f32 to vector<16xf32>
      %mul3A_175 = arith.mulf %mul3A_174, %max3A_146 : vector<16xf32>
      %mul3A_176 = arith.mulf %mul3A_175, %mul3A_172 : vector<16xf32>
      %mul3A_177 = arith.mulf %mul3A_176, %mul3A_172 : vector<16xf32>
      %sub3A_178 = arith.constant 1.500000e+00 : f32
      %sub3A_179 = vector.broadcast %sub3A_178 : f32 to vector<16xf32>
      %sub3A_180 = arith.subf %sub3A_179, %mul3A_177 : vector<16xf32>
      %mul3A_181 = arith.mulf %mul3A_172, %sub3A_180 : vector<16xf32>
      %mul3A_182 = arith.mulf %get3A_20, %mul3A_114 : vector<16xf32>
      %mul3A_183 = arith.mulf %get3A_32, %mul3A_181 : vector<16xf32>
      %add3A_184 = arith.addf %mul3A_182, %mul3A_183 : vector<16xf32>
      %swap3A = arith.index_cast %scan3A_18 : i32 to index
      %swap3A_185 = arith.constant 0 : index
      %swap3A_186 = tpu.vector_load %arg9[%swap3A, %swap3A_185] {strides = array<i32>} : memref<512x64xf32, #tpu.memory_space<vmem>>, vector<16xf32>,
      tpu.vector_store %arg9[%swap3A, %swap3A_185], %add3A_184 {strides = array<i32>} : memref<512x64xf32, #tpu.memory_space<vmem>>, vector<16xf32>,
      %mul3A_187 = arith.mulf %get3A_23, %mul3A_114 : vector<16xf32>
      %mul3A_188 = arith.mulf %get3A_35, %mul3A_181 : vector<16xf32>
      %add3A_189 = arith.addf %mul3A_187, %mul3A_188 : vector<16xf32>
      %swap3A_190 = arith.index_cast %scan3A_18 : i32 to index
      %swap3A_191 = arith.constant 16 : index
      %swap3A_192 = tpu.vector_load %arg9[%swap3A_190, %swap3A_191] {strides = array<i32>} : memref<512x64xf32, #tpu.memory_space<vmem>>, vector<16xf32>,
      tpu.vector_store %arg9[%swap3A_190, %swap3A_191], %add3A_189 {strides = array<i32>} : memref<512x64xf32, #tpu.memory_space<vmem>>, vector<16xf32>,
      %mul3A_193 = arith.mulf %get3A_26, %mul3A_114 : vector<16xf32>
      %mul3A_194 = arith.mulf %get3A_38, %mul3A_181 : vector<16xf32>
      %add3A_195 = arith.addf %mul3A_193, %mul3A_194 : vector<16xf32>
      %swap3A_196 = arith.index_cast %scan3A_18 : i32 to index
      %swap3A_197 = arith.constant 32 : index
      %swap3A_198 = tpu.vector_load %arg9[%swap3A_196, %swap3A_197] {strides = array<i32>} : memref<512x64xf32, #tpu.memory_space<vmem>>, vector<16xf32>,
      tpu.vector_store %arg9[%swap3A_196, %swap3A_197], %add3A_195 {strides = array<i32>} : memref<512x64xf32, #tpu.memory_space<vmem>>, vector<16xf32>,
      %mul3A_199 = arith.mulf %get3A_29, %mul3A_114 : vector<16xf32>
      %mul3A_200 = arith.mulf %get3A_41, %mul3A_181 : vector<16xf32>
      %add3A_201 = arith.addf %mul3A_199, %mul3A_200 : vector<16xf32>
      %swap3A_202 = arith.index_cast %scan3A_18 : i32 to index
      %swap3A_203 = arith.constant 48 : index
      %swap3A_204 = tpu.vector_load %arg9[%swap3A_202, %swap3A_203] {strides = array<i32>} : memref<512x64xf32, #tpu.memory_space<vmem>>, vector<16xf32>,
      tpu.vector_store %arg9[%swap3A_202, %swap3A_203], %add3A_201 {strides = array<i32>} : memref<512x64xf32, #tpu.memory_space<vmem>>, vector<16xf32>,
    }
    %scan3A_17 = arith.constant 512 : i32
    "tpu.region"() ({
      %run_scoped3A = tpu.sem_alloc : memref<!tpu.dma_semaphore, #tpu.memory_space<semaphore_mem>>
      %dma_start3A_18 = arith.constant 0 : i32
      %dma_start3A_19 = tpu.memref_slice %arg6[%mul3A_2, %dma_start3A_18] : memref<16384x64xf32, #tpu.memory_space<hbm>> -> memref<512x64xf32, #tpu.memory_space<hbm>>
      %dma_start3A_20 = arith.constant 0 : i32
      %dma_start3A_21 = tpu.memref_slice %arg6[%mul3A_2, %dma_start3A_20] : memref<16384x64xf32, #tpu.memory_space<hbm>> -> memref<512x64xf32, #tpu.memory_space<hbm>>
      tpu.enqueue_dma source(%arg9 : memref<512x64xf32, #tpu.memory_space<vmem>>) target(%dma_start3A_21 : memref<512x64xf32, #tpu.memory_space<hbm>>) target_semaphore(%run_scoped3A : memref<!tpu.dma_semaphore, #tpu.memory_space<semaphore_mem>>)
      %dma_wait3A_22 = arith.constant 0 : i32
      %dma_wait3A_23 = tpu.memref_slice %arg6[%mul3A_2, %dma_wait3A_22] : memref<16384x64xf32, #tpu.memory_space<hbm>> -> memref<512x64xf32, #tpu.memory_space<hbm>>
      %dma_wait3A_24 = arith.constant 0 : i32
      %dma_wait3A_25 = tpu.memref_slice %arg6[%mul3A_2, %dma_wait3A_24] : memref<16384x64xf32, #tpu.memory_space<hbm>> -> memref<512x64xf32, #tpu.memory_space<hbm>>
      tpu.wait_dma2 semaphore(%run_scoped3A : memref<!tpu.dma_semaphore, #tpu.memory_space<semaphore_mem>>) src(%arg9 : memref<512x64xf32, #tpu.memory_space<vmem>>) dst(%dma_wait3A_25 : memref<512x64xf32, #tpu.memory_space<hbm>>)
      tpu.yield
    }) : () -> ()
    return
  }
}

</mosaic_0001>

<sc_bundles>
// kernel: kernel.3.cloned.1.call-start
scs
__scs_entry_jumppad:
0x0: {  	(pc) =	sbr.rel $0x88, $3  }
0x1: {  	(tag) =	ssettag $0x0;
	lr =	simm.s32 $0x1  }
0x2: {  	[smem:$0x3F9D] =	sst lr;
	_ =	strace $0xD0000000  }
0x3: {  	_ = 	snop  }
0x4: {  	_ = 	snop  }
0x5: {  	_ = 	snop  }
0x6: {  	_ = 	snop  }
0x7: {  	_ = 	snop  }
__scs_overlays_trampoline_lowered:
0x8: {  	[smem:$0x3FAC] =	sst s0  }
0x9: {  	[smem:$0x3FAD] =	sst s1  }
0xa: {  	[smem:$0x3FAE] =	sst s2  }
0xb: {  	[smem:$0x3FAF] =	sst s3  }
0xc: {  	[smem:$0x3FB0] =	sst s4  }
0xd: {  	[smem:$0x3FB1] =	sst s5  }
0xe: {  	[smem:$0x3FB2] =	sst s6  }
0xf: {  	[smem:$0x3FB3] =	sst s7  }
0x10: {  	[smem:$0x3FB4] =	sst s8  }
0x11: {  	[smem:$0x3FB5] =	sst s9;
	s0 =	simm.s32 @!p0 $0x0  }
0x12: {  	s1 =	sld [smem:$0x3F9B];
	s0 =	simm.s32 @p0 $0x1  }
0x13: {  	[smem:$0x3FB6] =	sst s0;
	s0 =	simm.s32 @!p1 $0x0  }
0x14: {  	s2 =	sld [smem:$0x3F9A];
	s0 =	simm.s32 @p1 $0x1  }
0x15: {  	[smem:$0x3FB7] =	sst s0;
	s0 =	simm.s32 @!p2 $0x0  }
0x16: {  	s3 =	sld [smem:$0x3FDB];
	s0 =	simm.s32 @p2 $0x1  }
0x17: {  	s4 =	simm.s32 $0x1BF5;
	[smem:$0x3FB9] =	sst s0  }
0x18: {  	s0 =	sld [smem:$0x3F9C];
	_ =	swait.ge [sflag:s4], $0x0  }
0x19: {  	s7 =	sld [smem:$0x3F9D]  }
0x1a: {  	s8 =	sadd.s32 $0xFFFFE003, lr  }
0x1b: {  	s9 =	sadd.s32 $0xFFFFFEF7, lr;
	s5 =	simm.s32 $0xFFFFFFFF;
	p2 =	slt.u32 s8, $0xFFFFF086  }
0x1c: {  	p1 =	slt.u32 s9, $0xF7A;
	s5 =	simm.s32 @!p2 $0x0  }
0x1d: {  	s5 =	simm.s32 @p1 $0x1;
	p0 =	seq.s32 s7, s2  }
0x1e: {  	s7 =	smul.u32 @!p0 $0xF7A, s2;
	p2 =	seq.s32 @!p0 s5, $0x0  }
0x1f: {  	s9 =	smul.u32 $0xF7A, s1;
	s8 =	simm.s32 @!p0 $0x1BF5;
	p2 =	por !p2, p0  }
0x20: {  	[sflag:s8] =	ssyncset.s32 @!p0 $0xFFFFF086;
	s6 =	sadd.s32 @!p0 s3, s7;
	s7 =	simm.s32 @!p0 $0x108  }
0x21: {  	s3 =	sadd.s32 s3, s9;
	s6 =	sadd.s32 @!p0 $0x88, s6;
	s7 =	simm.s32 @p2 $0x1082  }
0x22: {  	[simem:s7], [sflag:s8] =	dma.local @!p0 [hbm:s6], $0xF7A  }
0x23: {  	s9 =	sor.u32 $0xD0000000, s2;
	s6 =	simm.s32 $0x108;
	_ =	swait.ge @!p0 [sflag:s8], $0x0  }
0x24: {  	s3 =	sadd.s32 $0x88, s3;
	s6 =	simm.s32 @!p1 $0x1082;
	[sflag:s4] =	ssyncset.s32 $0xFFFFF086  }
0x25: {  	[simem:s6], [sflag:s4] =	dma.local [hbm:s3], $0xF7A  }
0x26: {  	[smem:$0x3F9D] =	sst s1;
	(tag) =	ssettag s2;
	_ =	strace s9  }
0x27: {  	s1 =	sld [smem:$0x3FAD]  }
0x28: {  	s2 =	sld [smem:$0x3FAE]  }
0x29: {  	s4 =	sld [smem:$0x3FB0]  }
0x2a: {  	p0 =	seq.s32 s5, $0x0;
	s5 =	sld [smem:$0x3FB1]  }
0x2b: {  	s6 =	sld [smem:$0x3FB2]  }
0x2c: {  	s7 =	sld [smem:$0x3FB3]  }
0x2d: {  	s3 =	simm.s32 $0x108;
	s8 =	sld [smem:$0x3FB4]  }
0x2e: {  	s3 =	simm.s32 @!p0 $0x1082;
	s9 =	sld [smem:$0x3FB5]  }
0x2f: {  	lr =	sadd.s32 s0, s3;
	s0 =	sld [smem:$0x3FAC]  }
0x30: {  	s3 =	sld [smem:$0x3FAF]  }
0x31: {  	[smem:$0x3FB8] =	sst s10  }
0x32: {  	s10 =	sld [smem:$0x3FB6];
	_ =	sdelay $0x3  }
0x33: {  	p0 =	seq.s32 s10, $0x1;
	s10 =	sld [smem:$0x3FB8];
	_ =	sdelay $0x3  }
0x34: {  	[smem:$0x3FB8] =	sst s10  }
0x35: {  	s10 =	sld [smem:$0x3FB7];
	_ =	sdelay $0x3  }
0x36: {  	p1 =	seq.s32 s10, $0x1;
	s10 =	sld [smem:$0x3FB8];
	_ =	sdelay $0x3  }
0x37: {  	[smem:$0x3FB8] =	sst s10  }
0x38: {  	s10 =	sld [smem:$0x3FB9]  }
0x39: {  	_ = 	snop;
	(pc) =	sbr.ind lr, $3  }
0x3a: {  	_ = 	snop  }
0x3b: {  	_ = 	snop  }
0x3c: {  	p2 =	seq.s32 s10, $0x1;
	s10 =	sld [smem:$0x3FB8]  }
0x3d: {  	_ =	shalt  }
0x3e: {  	_ =	shalt  }
0x3f: {  	_ =	shalt  }
0x40: {  	_ =	shalt  }
0x41: {  	_ =	shalt  }
0x42: {  	_ =	shalt  }
0x43: {  	_ =	shalt  }
0x44: {  	_ =	shalt  }
0x45: {  	_ =	shalt  }
0x46: {  	_ =	shalt  }
0x47: {  	_ =	shalt  }
0x48: {  	_ =	shalt  }
0x49: {  	_ =	shalt  }
0x4a: {  	_ =	shalt  }
0x4b: {  	_ =	shalt  }
0x4c: {  	_ =	shalt  }
0x4d: {  	_ =	shalt  }
0x4e: {  	_ =	shalt  }
0x4f: {  	_ =	shalt  }
0x50: {  	_ =	shalt  }
0x51: {  	_ =	shalt  }
0x52: {  	_ =	shalt  }
0x53: {  	_ =	shalt  }
0x54: {  	_ =	shalt  }
0x55: {  	_ =	shalt  }
0x56: {  	_ =	shalt  }
0x57: {  	_ =	shalt  }
0x58: {  	_ =	shalt  }
0x59: {  	_ =	shalt  }
0x5a: {  	_ =	shalt  }
0x5b: {  	_ =	shalt  }
0x5c: {  	_ =	shalt  }
0x5d: {  	_ =	shalt  }
0x5e: {  	_ =	shalt  }
0x5f: {  	_ =	shalt  }
0x60: {  	_ =	shalt  }
0x61: {  	_ =	shalt  }
0x62: {  	_ =	shalt  }
0x63: {  	_ =	shalt  }
0x64: {  	_ =	shalt  }
0x65: {  	_ =	shalt  }
0x66: {  	_ =	shalt  }
0x67: {  	_ =	shalt  }
0x68: {  	_ =	shalt  }
0x69: {  	_ =	shalt  }
0x6a: {  	_ =	shalt  }
0x6b: {  	_ =	shalt  }
0x6c: {  	_ =	shalt  }
0x6d: {  	_ =	shalt  }
0x6e: {  	_ =	shalt  }
0x6f: {  	_ =	shalt  }
0x70: {  	_ =	shalt  }
0x71: {  	_ =	shalt  }
0x72: {  	_ =	shalt  }
0x73: {  	_ =	shalt  }
0x74: {  	_ =	shalt  }
0x75: {  	_ =	shalt  }
0x76: {  	_ =	shalt  }
0x77: {  	_ =	shalt  }
0x78: {  	_ =	shalt  }
0x79: {  	_ =	shalt  }
0x7a: {  	_ =	shalt  }
0x7b: {  	_ =	shalt  }
0x7c: {  	_ =	shalt  }
0x7d: {  	_ =	shalt  }
0x7e: {  	_ =	shalt  }
0x7f: {  	_ =	shalt  }
0x80: {  	_ =	shalt  }
0x81: {  	_ =	shalt  }
0x82: {  	_ =	shalt  }
0x83: {  	_ =	shalt  }
0x84: {  	_ =	shalt  }
0x85: {  	_ =	shalt  }
0x86: {  	_ =	shalt  }
0x87: {  	_ =	shalt  }
.Lfunc_end0:
.L_simem_size_0:
called_computation_lowered:
.L_overlay_start_0:
0x88: {  	s2 =	sld [smem:$0x3FD9]  }
0x89: {  	s3 =	sld [smem:$0x3FFE];
	_ =	sdelay $0x1  }
0x8a: {  	s1 =	srdreg.scid  }
0x8b: {  	s0 =	sand.u32 $0x1, s1  }
0x8c: {  	s17 =	sshll.u32 s0, $0xA;
	s2 =	sadd.s32 s3, s2  }
0x8d: {  	s2 =	sadd.s32 s2, s17  }
0x8e: {  	[smem:$0x3FC4] =	sst s2  }
0x8f: {  	_ = 	snop  }
0x90: {  	s2 =	sld [smem:$0x3FC9]  }
0x91: {  	s18 =	sld [smem:$0x3FC8]  }
0x92: {  	s4 =	sld [smem:$0x3FD0];
	(tm) =	ssettm $0x1  }
0x93: {  	s5 =	sld [smem:$0x3FFB];
	_ =	sdelay $0x3  }
0x94: {  	_ =	strace s5  }
0x95: {  	s5 =	sld [smem:$0x3FFC];
	_ =	sdelay $0x3  }
0x96: {  	_ =	strace s5  }
0x97: {  	s5 =	sld [smem:$0x3FFD];
	_ =	sdelay $0x3  }
0x98: {  	_ =	strace s5  }
0x99: {  	_ =	strace $0x8FFFFFFF  }
0x9a: {  	s19 =	sld [smem:$0x3FDB];
	_ =	sdelay $0x1  }
0x9b: {  	s6 =	simm.s32 $_scs_section_size  }
0x9c: {  	s7 =	simm.s32 $_size__tile_overlayer_lowered;
	s8 =	simm.s32 $_tile_overlayer_lowered  }
0x9d: {  	s22 =	simm.s32 $0x1BFF;
	s21 =	sshll.u32 s8, $0x1;
	s5 =	sadd.s32 s6, s19  }
0x9e: {  	s9 =	simm.s32 $0x0;
	s20 =	sshll.u32 s7, $0x1;
	s7 =	sadd.s32 s21, s5  }
0x9f: {  	[timem:s9], [sflag:s22] =	dma.local [hbm:s7], s20  }
0xa0: {  	_ =	swait.ge [sflag:s22], s20  }
0xa1: {  	s6 =	ssub.s32 $0x0, s20;
	[sflag:s22] =	ssyncset.done $0x0  }
0xa2: {  	[sflag:s22] =	ssyncadd.s32 s6;
	_ =	sdelay $0x1  }
0xa3: {  	s23 =	simm.s32 $0x1B8B  }
0xa4: {  	_ =	swait.ge [sflag:s23], $0x1  }
0xa5: {  	[sflag:s23] =	ssyncset.done $0x0  }
0xa6: {  	s25 =	simm.s32 $0x1B8E;
	s24 =	sld [smem:$0x3FFE];
	[sflag:s23] =	ssyncadd.s32 $0xFFFFFFFF  }
0xa7: {  	s26 =	simm.s32 $execute0_lowered;
	[smem:$0x3FD2] =	sst s25  }
0xa8: {  	s7 =	sshll.u32 s26, $0x1;
	_ =	strace $0x80000046;
	[dreg:$0x1] =	wrdreg $0xFFFFFFFF  }
0xa9: {  	s28 =	simm.s32 $_size_execute0_lowered;
	s5 =	sadd.s32 s5, s7;
	[dreg:$0x0] =	wrdreg $0x0  }
0xaa: {  	s7 =	sshll.u32 s28, $0x1;
	[dreg:$0x2] =	wrdreg s5  }
0xab: {  	[dreg:$0x3] =	wrdreg s7  }
0xac: {  	[dreg:$0x4] =	wrdreg $0xC0  }
0xad: {  	_ =	task [dreg:s9], $0x5FFFF  }
0xae: {  	[dreg:$0x1] =	wrdreg $0xFFFFFFFF  }
0xaf: {  	[dreg:$0x0] =	wrdreg $0x60  }
0xb0: {  	[dreg:$0x2] =	wrdreg s2  }
0xb1: {  	[dreg:$0x3] =	wrdreg s18  }
0xb2: {  	[dreg:$0x4] =	wrdreg s24  }
0xb3: {  	[dreg:$0x5] =	wrdreg s4  }
0xb4: {  	[dreg:$0x6] =	wrdreg $0x9  }
0xb5: {  	_ =	task.clear_ibuf [dreg:s9], $0x7FFFF;
	_ =	strace $0x90000046  }
0xb6: {  	s29 =	simm.s32 $0x9;
	_ =	strace $0x80000048  }
0xb7: {  	_ =	swait.ge [sflag:s29], $0x1  }
0xb8: {  	[sflag:s29] =	ssyncadd.s32 $0xFFFFFFFF  }
0xb9: {  	_ =	strace $0x90000048  }
0xba: {  	_ =	sfence  }
0xbb: {  	s30 =	sld [smem:$0x0];
	_ =	sdelay $0x2  }
0xbc: {  	s31 =	sshll.u32 s1, $0xD;
	s1 =	sshrl.u32 s1, $0x2  }
0xbd: {  	s3 =	sand.u32 $0x4000, s31;
	s1 =	sadd.s32 s1, s30  }
0xbe: {  	s0 =	sor.u32 s3, s0;
	s1 =	sshll.u32 s1, $0x11  }
0xbf: {  	s0 =	sor.u32 s1, s0  }
0xc0: {  	s0 =	sadd.s32 $0x8F2B, s0  }
0xc1: {  	[sflag:s0] =	ssyncadd.remote.s32 $0x1  }
0xc2: {  	_ =	sfence.sel $0xFFFF  }
0xc3: {  	[dreg:$0x0] =	wrdreg $0xFFFFFFFF;
	(pc) =	sbr.abs _section_cstart, $3  }
0xc4: {  	[dreg:$0x1] =	wrdreg $0xFFFFFFFF  }
0xc5: {  	_ =	task.clear_ibuf [dreg:s9], $0x2FFFF;
	_ =	strace $0x9FFFFFFF  }
0xc6: {  	(tm) =	ssettm $0x7FFFFFFF  }
0xc7: {  	_ =	shalt  }
tec
execute0_lowered:
.L_overlay_start_1:
0x0: {  	(tag) =	ssettag $0x1  }
0x1: {  	s5 =	rddreg [dreg:$0x0]  }
0x2: {  	s6 =	rddreg [dreg:$0x1]  }
0x3: {  	v0 =	vimm.s32 $0xFEDCBA98;
	s4 =	rddreg [dreg:$0x2];
	v1 =	vimm.s32 $0x76543210  }
0x4: {  	s7 =	rddreg [dreg:$0x3];
	v2 =	vimm.s32 $0xBA98FEDC;
	v3 =	vimm.s32 $0x32107654;
	v4 =	vimm.s32 $0xDCFE98BA  }
0x5: {  	s0 =	rddreg [dreg:$0x4];
	v5 =	vimm.s32 $0x54761032;
	v6 =	vimm.s32 $0xEFCDAB89;
	v7 =	vimm.s32 $0x67452301  }
0x6: {  	s1 =	simm.s32 $0x0;
	s3 =	srdreg.scid;
	s2 =	stileid.u32;
	v0 =	vunpack.c.l.s4.s8 v0;
	v1 =	vunpack.c.l.s4.s8 v1;
	v2 =	vunpack.c.l.s4.s8 v2  }
0x7: {  	s12 =	simm.s32 $0x8400;
	s13 =	simm.s32 $0x1;
	s14 =	simm.s32 $0x2;
	v3 =	vunpack.c.l.s4.s8 v3;
	v4 =	vunpack.c.l.s4.s8 v4;
	v5 =	vunpack.c.l.s4.s8 v5  }
0x8: {  	s15 =	simm.s32 $0x0;
	[smem:$0x7FF] =	sst s1;
	s3 =	sand.u32 $0x1, s3;
	v6 =	vunpack.c.l.s4.s8 v6;
	v7 =	vunpack.c.l.s4.s8 v7;
	v0 =	vunpack.c.0.s8.s32 v0  }
0x9: {  	s9 =	sshll.u32 s2, $0xA;
	_ =	strace $0x80000047;
	s8 =	ssub.s32 $0x2, s3;
	v2 =	vunpack.c.0.s8.s32 v2;
	v3 =	vunpack.c.0.s8.s32 v3;
	v4 =	vunpack.c.0.s8.s32 v4  }
0xa: {  	s10 =	sshll.u32 s3, $0x9;
	s3 =	sadd.s32 $0xF42A00, s4;
	s11 =	sshrl.u32 s8, $0x1;
	v5 =	vunpack.c.0.s8.s32 v5;
	v6 =	vunpack.c.0.s8.s32 v6;
	v7 =	vunpack.c.0.s8.s32 v7  }
0xb: {  	s4 =	sadd.s32 $0x600, s4;
	s9 =	sor.u32 s10, s9;
	v1 =	vunpack.c.0.s8.s32 v1;
	s8 =	ssub.s32 s8, s11;
	v2 =	vcombine.low v3, v2  }
0xc: {  	s10 =	sshrl.u32 s9, $0x3;
	s9 =	sshll.u32 s9, $0x3;
	s11 =	simm.s32 $0x400;
	v3 =	vcombine.low v5, v4;
	v4 =	vcombine.low v7, v6;
	v0 =	vand.u32 $0xF, v0  }
0xd: {  	s5 =	sadd.s32 s5, s10;
	s6 =	sadd.s32 s6, s10;
	s7 =	sadd.s32 s7, s9;
	v0 =	vcombine.low v0, v1  }
0xe: {  	s8 =	smax.u32 s8, $0x1;
	s9 =	simm.s32 $0x3;
	s10 =	simm.s32 $0x200;
	v1 =	vand.u32 $0xF, v2;
	v2 =	vand.u32 $0xF, v3;
	v3 =	vand.u32 $0xF, v4  }
.LBB2_1:
0xf: {  	[tilespmem:s1], [sflag:$0x3] =	stream.linear.gather [hbm4b:s5+s1], $0x200, $0x38;
	[tilespmem:$0x10400] =	vst v63  }
0x10: {  	_ =	swait.ge [sflag:s9], $0x200  }
0x11: {  	[sflag:s9] =	ssyncset.done $0x0  }
0x12: {  	[sflag:s9] =	ssyncadd.s32 $0xFFFFFE00  }
0x13: {  	[tilespmem:s10], [sflag:$0x3] =	stream.linear.gather [hbm4b:s6+s1], $0x200, $0x38;
	[tilespmem:$0x10400] =	vst v63  }
0x14: {  	_ =	swait.ge [sflag:s9], $0x200  }
0x15: {  	[sflag:s9] =	ssyncset.done $0x0  }
0x16: {  	[sflag:s9] =	ssyncadd.s32 $0xFFFFFE00  }
0x17: {  	[tilespmem:s11], [sflag:$0x1] =	stream.indirect.gather [hbm4b:s3+s10], $0x40, s1, s10, $0xb8;
	[tilespmem:$0x10400] =	vst v63  }
0x18: {  	_ = 	snop  }
0x19: {  	[tilespmem:s12], [sflag:$0x2] =	stream.indirect.gather [hbm4b:s4+s10], $0x40, s10, s10, $0xb8;
	[tilespmem:$0x10400] =	vst v63  }
0x1a: {  	_ =	swait.ge [sflag:s13], $0x8000  }
0x1b: {  	[sflag:s13] =	ssyncset.done $0x0  }
0x1c: {  	[sflag:s13] =	ssyncadd.s32 $0xFFFF8000  }
0x1d: {  	_ =	swait.ge [sflag:s14], $0x8000  }
0x1e: {  	[sflag:s14] =	ssyncset.done $0x0  }
0x1f: {  	s16 =	simm.s32 $0x0;
	[sflag:s14] =	ssyncadd.s32 $0xFFFF8000  }
0x20: {  	v8 =	vld [tilespmem:s16+$0x8410]  }
0x21: {  	v9 =	vld [tilespmem:s16+$0x8400];
	_ =	sdelay $0x1  }
0x22: {  	v10 =	vld [tilespmem:s16+$0x8420];
	_ =	sdelay $0x1  }
0x23: {  	v11 =	vld [tilespmem:s16+$0x8430]  }
0x24: {  	v5 =	vmul.f32 v8, v8;
	v6 =	vmul.f32 v9, v9;
	_ =	sdelay $0x1  }
0x25: {  	v4 =	vld [tilespmem:s16+$0x410];
	v7 =	vmul.f32 v10, v10;
	v6 =	vadd.f32 v5, v6  }
0x26: {  	v5 =	vld [tilespmem:s16+$0x400]  }
0x27: {  	v12 =	vmul.f32 v11, v11;
	v7 =	vadd.f32 v7, v6  }
0x28: {  	v6 =	vld [tilespmem:s16+$0x420]  }
0x29: {  	v12 =	vadd.f32 v12, v7  }
0x2a: {  	v13 =	vmul.f32 v4, v4;
	v7 =	vld [tilespmem:s16+$0x430]  }
0x2b: {  	v14 =	vmul.f32 v5, v5;
	v15 =	vperm.xlane v12, v0;
	_ =	sdelay $0x1  }
0x2c: {  	v13 =	vadd.f32 v13, v14;
	v14 =	vmul.f32 v6, v6;
	v12 =	vadd.f32 v15, v12;
	_ =	sdelay $0x1  }
0x2d: {  	v13 =	vadd.f32 v14, v13;
	v14 =	vmul.f32 v7, v7;
	v15 =	vperm.xlane v12, v1;
	_ =	sdelay $0x1  }
0x2e: {  	v13 =	vadd.f32 v14, v13;
	v12 =	vadd.f32 v15, v12;
	_ =	sdelay $0x1  }
0x2f: {  	v14 =	vperm.xlane v13, v0;
	v15 =	vperm.xlane v12, v2;
	_ =	sdelay $0x1  }
0x30: {  	v13 =	vadd.f32 v14, v13;
	v12 =	vadd.f32 v15, v12;
	_ =	sdelay $0x1  }
0x31: {  	v14 =	vperm.xlane v13, v1;
	v15 =	vperm.xlane v12, v3;
	_ =	sdelay $0x1  }
0x32: {  	v13 =	vadd.f32 v14, v13;
	v12 =	vadd.f32 v15, v12;
	_ =	sdelay $0x1  }
0x33: {  	v14 =	vperm.xlane v13, v2;
	v12 =	vmax.f32 v12, $9.999999960e-13  }
0x34: {  	v15 =	vshrl.u32 v12, $0x1;
	v12 =	vmul.f32 $5.000000000e-01, v12  }
0x35: {  	v13 =	vadd.f32 v14, v13;
	v14 =	vsub.s32 $0x5F3759DF, v15  }
0x36: {  	v15 =	vmul.f32 v14, v12  }
0x37: {  	v16 =	vperm.xlane v13, v3  }
0x38: {  	v15 =	vmul.f32 v14, v15  }
0x39: {  	v13 =	vadd.f32 v16, v13  }
0x3a: {  	v15 =	vsub.f32 $1.500000000e+00, v15  }
0x3b: {  	v13 =	vmax.f32 v13, $9.999999960e-13  }
0x3c: {  	v16 =	vshrl.u32 v13, $0x1;
	v13 =	vmul.f32 $5.000000000e-01, v13;
	v14 =	vmul.f32 v14, v15  }
0x3d: {  	v15 =	vsub.s32 $0x5F3759DF, v16  }
0x3e: {  	v16 =	vmul.f32 v15, v13;
	v17 =	vmul.f32 v14, v12;
	_ =	sdelay $0x1  }
0x3f: {  	v16 =	vmul.f32 v15, v16;
	v17 =	vmul.f32 v17, v14;
	_ =	sdelay $0x1  }
0x40: {  	v16 =	vsub.f32 $1.500000000e+00, v16;
	v17 =	vsub.f32 $1.500000000e+00, v17;
	_ =	sdelay $0x1  }
0x41: {  	v15 =	vmul.f32 v15, v16;
	v14 =	vmul.f32 v17, v14;
	_ =	sdelay $0x1  }
0x42: {  	v16 =	vmul.f32 v15, v13;
	v12 =	vmul.f32 v14, v12;
	_ =	sdelay $0x1  }
0x43: {  	v16 =	vmul.f32 v16, v15;
	v12 =	vmul.f32 v12, v14;
	_ =	sdelay $0x1  }
0x44: {  	v16 =	vsub.f32 $1.500000000e+00, v16;
	v12 =	vsub.f32 $1.500000000e+00, v12;
	_ =	sdelay $0x1  }
0x45: {  	v16 =	vmul.f32 v16, v15;
	v15 =	vmul.f32 v12, v14;
	_ =	sdelay $0x1  }
0x46: {  	v17 =	vmul.f32 v16, v13;
	v12 =	vmul.f32 v15, v9  }
0x47: {  	v14 =	vmul.f32 v15, v8;
	v13 =	vmul.f32 v15, v10  }
0x48: {  	s17 =	simm.s32 $0x100;
	v15 =	vmul.f32 v15, v11;
	v8 =	vmul.f32 v17, v16  }
.LBB2_2:
0x49: {  	p0 =	sne.s32 s17, $0x1FF00;
	s18 =	smov.u32 s17;
	s17 =	sadd.s32 $0x100, s17  }
0x4a: {  	s18 =	sshra.s32 s18, $0x2;
	v9 =	vsub.f32 $1.500000000e+00, v8  }
0x4b: {  	v8 =	vld [tilespmem:s18+$0x8410]  }
0x4c: {  	v10 =	vld [tilespmem:s18+$0x8400];
	v16 =	vmul.f32 v9, v16  }
0x4d: {  	v9 =	vld [tilespmem:s18+$0x8430]  }
0x4e: {  	v11 =	vld [tilespmem:s18+$0x8420];
	v4 =	vmul.f32 v16, v4;
	v7 =	vmul.f32 v16, v7  }
0x4f: {  	v5 =	vmul.f32 v16, v5;
	v6 =	vmul.f32 v16, v6  }
0x50: {  	v16 =	vmul.f32 v8, v8;
	v4 =	vadd.f32 v14, v4;
	v7 =	vadd.f32 v15, v7  }
0x51: {  	v5 =	vadd.f32 v12, v5;
	v6 =	vadd.f32 v13, v6;
	v14 =	vmul.f32 v10, v10  }
0x52: {  	[tilespmem:s16+$0x410] =	vst v4  }
0x53: {  	v4 =	vld [tilespmem:s18+$0x410];
	v12 =	vadd.f32 v16, v14;
	v13 =	vmul.f32 v11, v11;
	[tilespmem:s16+$0x400] =	vst v5  }
0x54: {  	v5 =	vld [tilespmem:s18+$0x400];
	[tilespmem:s16+$0x430] =	vst v7  }
0x55: {  	v7 =	vadd.f32 v13, v12;
	v12 =	vmul.f32 v9, v9;
	[tilespmem:s16+$0x420] =	vst v6;
	s16 =	smov.u32 s18  }
0x56: {  	v6 =	vld [tilespmem:s16+$0x420]  }
0x57: {  	v12 =	vadd.f32 v12, v7  }
0x58: {  	v7 =	vld [tilespmem:s16+$0x430];
	v13 =	vmul.f32 v4, v4  }
0x59: {  	v14 =	vmul.f32 v5, v5;
	v15 =	vperm.xlane v12, v0;
	_ =	sdelay $0x1  }
0x5a: {  	v13 =	vadd.f32 v13, v14;
	v14 =	vmul.f32 v6, v6;
	v12 =	vadd.f32 v15, v12;
	_ =	sdelay $0x1  }
0x5b: {  	v13 =	vadd.f32 v14, v13;
	v14 =	vmul.f32 v7, v7;
	v15 =	vperm.xlane v12, v1;
	_ =	sdelay $0x1  }
0x5c: {  	v13 =	vadd.f32 v14, v13;
	v12 =	vadd.f32 v15, v12;
	_ =	sdelay $0x1  }
0x5d: {  	v14 =	vperm.xlane v13, v0;
	v15 =	vperm.xlane v12, v2;
	_ =	sdelay $0x1  }
0x5e: {  	v13 =	vadd.f32 v14, v13;
	v12 =	vadd.f32 v15, v12;
	_ =	sdelay $0x1  }
0x5f: {  	v14 =	vperm.xlane v13, v1;
	v15 =	vperm.xlane v12, v3;
	_ =	sdelay $0x1  }
0x60: {  	v13 =	vadd.f32 v14, v13;
	v12 =	vadd.f32 v15, v12;
	_ =	sdelay $0x1  }
0x61: {  	v14 =	vperm.xlane v13, v2;
	v12 =	vmax.f32 v12, $9.999999960e-13  }
0x62: {  	v15 =	vshrl.u32 v12, $0x1;
	v12 =	vmul.f32 $5.000000000e-01, v12  }
0x63: {  	v13 =	vadd.f32 v14, v13;
	v14 =	vsub.s32 $0x5F3759DF, v15  }
0x64: {  	v15 =	vmul.f32 v14, v12  }
0x65: {  	v16 =	vperm.xlane v13, v3  }
0x66: {  	v15 =	vmul.f32 v14, v15  }
0x67: {  	v13 =	vadd.f32 v16, v13  }
0x68: {  	v15 =	vsub.f32 $1.500000000e+00, v15  }
0x69: {  	v13 =	vmax.f32 v13, $9.999999960e-13  }
0x6a: {  	v16 =	vshrl.u32 v13, $0x1;
	v13 =	vmul.f32 $5.000000000e-01, v13;
	v14 =	vmul.f32 v14, v15  }
0x6b: {  	v15 =	vsub.s32 $0x5F3759DF, v16  }
0x6c: {  	v16 =	vmul.f32 v15, v13;
	v17 =	vmul.f32 v14, v12;
	_ =	sdelay $0x1  }
0x6d: {  	v16 =	vmul.f32 v15, v16;
	v17 =	vmul.f32 v17, v14;
	_ =	sdelay $0x1  }
0x6e: {  	v16 =	vsub.f32 $1.500000000e+00, v16;
	v17 =	vsub.f32 $1.500000000e+00, v17;
	_ =	sdelay $0x1  }
0x6f: {  	v15 =	vmul.f32 v15, v16;
	v14 =	vmul.f32 v17, v14;
	_ =	sdelay $0x1  }
0x70: {  	v16 =	vmul.f32 v15, v13;
	v12 =	vmul.f32 v14, v12;
	_ =	sdelay $0x1  }
0x71: {  	v16 =	vmul.f32 v16, v15;
	v12 =	vmul.f32 v12, v14;
	_ =	sdelay $0x1  }
0x72: {  	v16 =	vsub.f32 $1.500000000e+00, v16;
	v12 =	vsub.f32 $1.500000000e+00, v12;
	_ =	sdelay $0x1  }
.Ltmp0:
0x73: {  	v16 =	vmul.f32 v16, v15;
	v15 =	vmul.f32 v12, v14;
	(pc) =	sbr.rel @p0 .LBB2_2-.Ltmp0, $4  }
0x74: {  	_ = 	snop  }
0x75: {  	v17 =	vmul.f32 v16, v13;
	v12 =	vmul.f32 v15, v10  }
0x76: {  	v14 =	vmul.f32 v15, v8;
	v13 =	vmul.f32 v15, v11  }
0x77: {  	v15 =	vmul.f32 v15, v9;
	v8 =	vmul.f32 v17, v16  }
0x78: {  	_ = 	snop  }
0x79: {  	v8 =	vsub.f32 $1.500000000e+00, v8;
	_ =	sdelay $0x1  }
0x7a: {  	v8 =	vmul.f32 v8, v16;
	_ =	sdelay $0x1  }
0x7b: {  	v4 =	vmul.f32 v8, v4  }
0x7c: {  	v5 =	vmul.f32 v8, v5  }
0x7d: {  	v7 =	vmul.f32 v8, v7;
	v4 =	vadd.f32 v14, v4  }
0x7e: {  	v6 =	vmul.f32 v8, v6;
	v5 =	vadd.f32 v12, v5  }
0x7f: {  	v7 =	vadd.f32 v15, v7;
	[tilespmem:s16+$0x410] =	vst v4  }
0x80: {  	s15 =	sadd.s32 $0x1, s15;
	v4 =	vadd.f32 v13, v6;
	[tilespmem:s16+$0x400] =	vst v5  }
0x81: {  	p0 =	sne.s32 s15, s8;
	[tilespmem:s16+$0x430] =	vst v7  }
.Ltmp1:
0x82: {  	[tilespmem:s16+$0x420] =	vst v4;
	(pc) =	sbr.rel @p0 .LBB2_1-.Ltmp1, $4  }
0x83: {  	[hbm4b:s7+s1] =	stream.linear.scatter [tilespmem:s11], [sflag:$0x3], $0x8000, $0x38;
	[tilespmem:$0x10400] =	vst v63  }
0x84: {  	_ =	swait.ge [sflag:s9], $0x8000  }
0x85: {  	[sflag:s9] =	ssyncset.done $0x0  }
0x86: {  	[sflag:s9] =	ssyncadd.s32 $0xFFFF8000  }
0x87: {  	_ =	sfence.sel $0x180000  }
0x88: {  	[bflag:$0x0] =	sbarrier.arrive $0xFFFF  }
0x89: {  	p0 =	sne.s32 s2, $0x0;
	_ =	strace $0x90000047  }
0x8a: {  	s0 =	sadd.s32 @!p0 $0x100000, s0;
	[bflag:$0x2] =	sbarrier.arrive $0xFFFF  }
0x8b: {  	[sflag:s0] =	ssyncadd.tile.s32 @!p0 $0x1;
	_ =	shalt  }
.Lfunc_end2:
_tile_overlayer_lowered:
.L_overlay_start_2:
0x8c: {  	(tag) =	ssettag $0x2  }
0x8d: {  	s0 =	rddreg [dreg:$0x0];
	s2 =	stileid.u32  }
0x8e: {  	s1 =	rddreg [dreg:$0x1];
	p0 =	sne.s32 s2, $0x0  }
0x8f: {  	s3 =	rddreg [dreg:$0x2];
	[bflag:$0x3] =	sbarrier.arrive $0xFFFF;
	s2 =	simm.s32 @!p0 $0x1C03  }
0x90: {  	[timem:s3], [sflag:s2] =	dma.local @!p0 [hbm:s0], s1  }
0x91: {  	s0 =	simm.s32 @!p0 $0x3  }
0x92: {  	_ =	swait.ge @!p0 [sflag:s0], s1  }
0x93: {  	s1 =	ssub.s32 @!p0 $0x0, s1;
	[sflag:s0] =	ssyncset.done @!p0 $0x0  }
0x94: {  	[sflag:s0] =	ssyncadd.s32 @!p0 s1  }
0x95: {  	[bflag:$0x3] =	sbarrier.arrive $0xFFFF  }
0x96: {  	_ =	shalt  }

</sc_bundles>
